<compile_context>
chip_gen: v7x
topology: tpu7x:2x2x1
jax: 0.10.2.dev20260603
libtpu: 0.0.44.dev20260713+nightly
codegen_flags: <defaults>
</compile_context>

<pallas_src>
import functools

import jax
import jax.numpy as jnp
from jax import lax
from jax.experimental import pallas as pl
from jax.experimental.pallas import tpu as pltpu
from jax.experimental.pallas import tpu_sc as plsc

VOCAB = 1000
D_MODEL = 128
BATCH = 4096
HIST = 200

_NC = 2
_NS = 16
_NW = _NC * _NS

_B = BATCH * HIST
_B_PER_W = _B // _NW
_G = 128
_N = _B_PER_W // _G
_NBUF = 4


def _gather_kernel(idx_hbm, table_hbm, out_hbm, idx_v, bufs, table_sh, gsem, ssem):
    sid = lax.axis_index("s")
    wid = sid * _NC + lax.axis_index("c")
    base = wid * _B_PER_W

    @pl.when(sid == 0)
    def _():
        pltpu.sync_copy(table_hbm, table_sh)

    pltpu.sync_copy(idx_hbm.at[wid], idx_v)
    plsc.subcore_barrier()

    def gather(i, j):
        pltpu.async_copy(table_sh.at[idx_v.at[i]], bufs.at[j], gsem)

    def wait_gather(i, j):
        pltpu.make_async_copy(table_sh.at[idx_v.at[i]], bufs.at[j], gsem).wait()

    def store(i, j):
        pltpu.async_copy(bufs.at[j], out_hbm.at[pl.ds(base + i * _G, _G)], ssem)

    def wait_store(i, j):
        pltpu.make_async_copy(
            bufs.at[j], out_hbm.at[pl.ds(base + i * _G, _G)], ssem
        ).wait()

    for j in range(_NBUF - 1):
        gather(j, j)

    def body(g, _):
        for j in range(_NBUF):
            i = _NBUF * g + j
            wait_gather(i, j)
            store(i, j)

            @pl.when(i > 0)
            def _():
                wait_store(i - 1, (j - 1) % _NBUF)

            @pl.when(i + _NBUF - 1 < _N)
            def _():
                gather(i + _NBUF - 1, (j - 1) % _NBUF)

        return _

    lax.fori_loop(0, _N // _NBUF, body, None)
    wait_store(_N - 1, (_N - 1) % _NBUF)


@functools.partial(jax.jit, donate_argnums=())
def _embed(x, table):
    assert _B_PER_W % _G == 0 and _N % _NBUF == 0
    idx = x.reshape(_NW, _N, _G)
    mesh = plsc.VectorSubcoreMesh(core_axis_name="c", subcore_axis_name="s")
    out = pl.kernel(
        _gather_kernel,
        mesh=mesh,
        out_type=jax.ShapeDtypeStruct((_B, D_MODEL), jnp.float32),
        scratch_types=[
            pltpu.VMEM((_N, _G), jnp.int32),
            pltpu.VMEM((_NBUF, _G, D_MODEL), jnp.float32),
            pltpu.VMEM_SHARED((VOCAB, D_MODEL), jnp.float32),
            pltpu.SemaphoreType.DMA,
            pltpu.SemaphoreType.DMA,
        ],
    )(idx, table)
    return out.reshape(BATCH, HIST, D_MODEL)


def kernel(x, table):
    return _embed(x, table)

# --- scband reference (transcript-rebuilt; emitter-appended) ---
"""Pipeline reference for scband-embeddings-84224308675241 (READ-ONLY COPY).

The authoritative reference and input builder live on the scoring server;
editing this copy changes nothing except your own understanding.
"""

import jax, jax.numpy as jnp
import numpy as np

VOCAB = 1000
D_MODEL = 128
BATCH = 4096
HIST = 200

def setup_inputs(seed: int = 0) -> dict:
    key = jax.random.key(seed)
    k1, k2 = jax.random.split(key)
    x = jax.random.randint(k1, (BATCH, HIST), 0, VOCAB, dtype=jnp.int32)
    # learned parameter: embedding table, default nn.Embedding init is N(0, 1)
    table = jax.random.normal(k2, (VOCAB, D_MODEL), dtype=jnp.float32)
    return {"x": x, "table": table}

def reference(x, table):
    # Embeddings.forward: return self.embed(x)
    return jnp.take(table, x, axis=0)

if __name__ == "__main__":
    import jax
    _d = setup_inputs()
    print(jax.jit(kernel)(*tuple(_d.values())))

</pallas_src>

<mosaic_0001>
#map = affine_map<(d0, d1) -> (0, 0, 0)>
#map1 = affine_map<(d0, d1) -> (0, 0)>
module attributes {stable_mosaic.version = 14 : i64} {
  func.func @_gather_kernel(%arg0: i32, %arg1: i32, %arg2: memref<32x200x128xi32, #tpu.memory_space<hbm>>, %arg3: memref<1000x128xf32, #tpu.memory_space<hbm>>, %arg4: memref<819200x128xf32, #tpu.memory_space<hbm>>, %arg5: memref<200x128xi32, #tpu.memory_space<vmem>>, %arg6: memref<4x128x128xf32, #tpu.memory_space<vmem>>, %arg7: memref<1000x128xf32, #tpu.memory_space<vmem_shared>>, %arg8: memref<!tpu.dma_semaphore, #tpu.memory_space<semaphore_mem>>, %arg9: memref<!tpu.dma_semaphore, #tpu.memory_space<semaphore_mem>>) attributes {dimension_semantics = [#tpu.dimension_semantics<core_parallel>, #tpu.dimension_semantics<subcore_parallel>], iteration_bounds = array<i64: 2, 16>, scalar_prefetch = 0 : i64, scratch_operands = 5 : i64, tpu.core_type = #tpu.core_type<sc_vector_subcore>, window_params = [{transform_indices = #map}, {transform_indices = #map1}, {transform_indices = #map1}]} {
    %mul3A = arith.constant 2 : i32
    %mul3A_0 = arith.muli %arg1, %mul3A : i32
    %add3A = arith.addi %mul3A_0, %arg0 : i32
    %mul3A_1 = arith.constant 25600 : i32
    %mul3A_2 = arith.muli %add3A, %mul3A_1 : i32
    %eq3A = arith.constant 0 : i32
    %eq3A_3 = arith.cmpi eq, %arg1, %eq3A : i32
    %convert_element_type3A = arith.extui %eq3A_3 : i1 to i32
    %cond3A = arith.constant 0 : i32
    %cond3A_4 = arith.cmpi ne, %convert_element_type3A, %cond3A : i32
    scf.if %cond3A_4 {
      "tpu.region"() ({
        %run_scoped3A = tpu.sem_alloc : memref<!tpu.dma_semaphore, #tpu.memory_space<semaphore_mem>>
        tpu.enqueue_dma source(%arg3 : memref<1000x128xf32, #tpu.memory_space<hbm>>) target(%arg7 : memref<1000x128xf32, #tpu.memory_space<vmem_shared>>) target_semaphore(%run_scoped3A : memref<!tpu.dma_semaphore, #tpu.memory_space<semaphore_mem>>)
        tpu.wait_dma2 semaphore(%run_scoped3A : memref<!tpu.dma_semaphore, #tpu.memory_space<semaphore_mem>>) src(%arg3 : memref<1000x128xf32, #tpu.memory_space<hbm>>) dst(%arg7 : memref<1000x128xf32, #tpu.memory_space<vmem_shared>>)
        tpu.yield
      }) : () -> ()
    } else {
    }
    "tpu.region"() ({
      %run_scoped3A = tpu.sem_alloc : memref<!tpu.dma_semaphore, #tpu.memory_space<semaphore_mem>>
      %dma_start3A_58 = arith.constant 0 : i32
      %dma_start3A_59 = arith.constant 0 : i32
      %dma_start3A_60 = tpu.memref_slice %arg2[%add3A, %dma_start3A_58, %dma_start3A_59] : memref<32x200x128xi32, #tpu.memory_space<hbm>> -> memref<1x200x128xi32, #tpu.memory_space<hbm>>
      %dma_start3A_61 = tpu.memref_squeeze %dma_start3A_60 : memref<1x200x128xi32, #tpu.memory_space<hbm>> -> memref<200x128xi32, #tpu.memory_space<hbm>>
      %dma_start3A_62 = arith.constant 0 : i32
      %dma_start3A_63 = arith.constant 0 : i32
      %dma_start3A_64 = tpu.memref_slice %arg2[%add3A, %dma_start3A_62, %dma_start3A_63] : memref<32x200x128xi32, #tpu.memory_space<hbm>> -> memref<1x200x128xi32, #tpu.memory_space<hbm>>
      %dma_start3A_65 = tpu.memref_squeeze %dma_start3A_64 : memref<1x200x128xi32, #tpu.memory_space<hbm>> -> memref<200x128xi32, #tpu.memory_space<hbm>>
      tpu.enqueue_dma source(%dma_start3A_65 : memref<200x128xi32, #tpu.memory_space<hbm>>) target(%arg5 : memref<200x128xi32, #tpu.memory_space<vmem>>) target_semaphore(%run_scoped3A : memref<!tpu.dma_semaphore, #tpu.memory_space<semaphore_mem>>)
      %dma_wait3A_66 = arith.constant 0 : i32
      %dma_wait3A_67 = arith.constant 0 : i32
      %dma_wait3A_68 = tpu.memref_slice %arg2[%add3A, %dma_wait3A_66, %dma_wait3A_67] : memref<32x200x128xi32, #tpu.memory_space<hbm>> -> memref<1x200x128xi32, #tpu.memory_space<hbm>>
      %dma_wait3A_69 = tpu.memref_squeeze %dma_wait3A_68 : memref<1x200x128xi32, #tpu.memory_space<hbm>> -> memref<200x128xi32, #tpu.memory_space<hbm>>
      %dma_wait3A_70 = arith.constant 0 : i32
      %dma_wait3A_71 = arith.constant 0 : i32
      %dma_wait3A_72 = tpu.memref_slice %arg2[%add3A, %dma_wait3A_70, %dma_wait3A_71] : memref<32x200x128xi32, #tpu.memory_space<hbm>> -> memref<1x200x128xi32, #tpu.memory_space<hbm>>
      %dma_wait3A_73 = tpu.memref_squeeze %dma_wait3A_72 : memref<1x200x128xi32, #tpu.memory_space<hbm>> -> memref<200x128xi32, #tpu.memory_space<hbm>>
      tpu.wait_dma2 semaphore(%run_scoped3A : memref<!tpu.dma_semaphore, #tpu.memory_space<semaphore_mem>>) src(%dma_wait3A_73 : memref<200x128xi32, #tpu.memory_space<hbm>>) dst(%arg5 : memref<200x128xi32, #tpu.memory_space<vmem>>)
      tpu.yield
    }) : () -> ()
    %barrier3A = arith.constant 0 : index
    tpu.barrier barrier_id(%barrier3A)
    %dma_start3A = arith.constant 0 : i32
    %dma_start3A_5 = arith.constant 0 : i32
    %dma_start3A_6 = arith.constant 0 : i32
    %dma_start3A_7 = arith.constant 0 : i32
    %dma_start3A_8 = tpu.memref_slice %arg6[%dma_start3A_5, %dma_start3A_6, %dma_start3A_7] : memref<4x128x128xf32, #tpu.memory_space<vmem>> -> memref<1x128x128xf32, #tpu.memory_space<vmem>>
    %dma_start3A_9 = tpu.memref_squeeze %dma_start3A_8 : memref<1x128x128xf32, #tpu.memory_space<vmem>> -> memref<128x128xf32, #tpu.memory_space<vmem>>
    %dma_start3A_10 = arith.constant 0 : i32
    %dma_start3A_11 = tpu.memref_slice %arg5[%dma_start3A, %dma_start3A_10] : memref<200x128xi32, #tpu.memory_space<vmem>> -> memref<1x128xi32, #tpu.memory_space<vmem>>
    %dma_start3A_12 = tpu.memref_squeeze %dma_start3A_11 : memref<1x128xi32, #tpu.memory_space<vmem>> -> memref<128xi32, #tpu.memory_space<vmem>>
    %dma_start3A_13 = arith.constant 0 : i32
    %dma_start3A_14 = arith.constant 0 : i32
    %dma_start3A_15 = tpu.memref_slice %arg7[%dma_start3A_13, %dma_start3A_14] : memref<1000x128xf32, #tpu.memory_space<vmem_shared>> -> memref<1000x128xf32, #tpu.memory_space<vmem_shared>>
    tpu.enqueue_indirect_dma source(%dma_start3A_15 : memref<1000x128xf32, #tpu.memory_space<vmem_shared>>) target(%dma_start3A_9 : memref<128x128xf32, #tpu.memory_space<vmem>>) offsets(%dma_start3A_12 : memref<128xi32, #tpu.memory_space<vmem>>) semaphore(%arg8 : memref<!tpu.dma_semaphore, #tpu.memory_space<semaphore_mem>>)
    %dma_start3A_16 = arith.constant 1 : i32
    %dma_start3A_17 = arith.constant 1 : i32
    %dma_start3A_18 = arith.constant 0 : i32
    %dma_start3A_19 = arith.constant 0 : i32
    %dma_start3A_20 = tpu.memref_slice %arg6[%dma_start3A_17, %dma_start3A_18, %dma_start3A_19] : memref<4x128x128xf32, #tpu.memory_space<vmem>> -> memref<1x128x128xf32, #tpu.memory_space<vmem>>
    %dma_start3A_21 = tpu.memref_squeeze %dma_start3A_20 : memref<1x128x128xf32, #tpu.memory_space<vmem>> -> memref<128x128xf32, #tpu.memory_space<vmem>>
    %dma_start3A_22 = arith.constant 0 : i32
    %dma_start3A_23 = tpu.memref_slice %arg5[%dma_start3A_16, %dma_start3A_22] : memref<200x128xi32, #tpu.memory_space<vmem>> -> memref<1x128xi32, #tpu.memory_space<vmem>>
    %dma_start3A_24 = tpu.memref_squeeze %dma_start3A_23 : memref<1x128xi32, #tpu.memory_space<vmem>> -> memref<128xi32, #tpu.memory_space<vmem>>
    %dma_start3A_25 = arith.constant 0 : i32
    %dma_start3A_26 = arith.constant 0 : i32
    %dma_start3A_27 = tpu.memref_slice %arg7[%dma_start3A_25, %dma_start3A_26] : memref<1000x128xf32, #tpu.memory_space<vmem_shared>> -> memref<1000x128xf32, #tpu.memory_space<vmem_shared>>
    tpu.enqueue_indirect_dma source(%dma_start3A_27 : memref<1000x128xf32, #tpu.memory_space<vmem_shared>>) target(%dma_start3A_21 : memref<128x128xf32, #tpu.memory_space<vmem>>) offsets(%dma_start3A_24 : memref<128xi32, #tpu.memory_space<vmem>>) semaphore(%arg8 : memref<!tpu.dma_semaphore, #tpu.memory_space<semaphore_mem>>)
    %dma_start3A_28 = arith.constant 2 : i32
    %dma_start3A_29 = arith.constant 2 : i32
    %dma_start3A_30 = arith.constant 0 : i32
    %dma_start3A_31 = arith.constant 0 : i32
    %dma_start3A_32 = tpu.memref_slice %arg6[%dma_start3A_29, %dma_start3A_30, %dma_start3A_31] : memref<4x128x128xf32, #tpu.memory_space<vmem>> -> memref<1x128x128xf32, #tpu.memory_space<vmem>>
    %dma_start3A_33 = tpu.memref_squeeze %dma_start3A_32 : memref<1x128x128xf32, #tpu.memory_space<vmem>> -> memref<128x128xf32, #tpu.memory_space<vmem>>
    %dma_start3A_34 = arith.constant 0 : i32
    %dma_start3A_35 = tpu.memref_slice %arg5[%dma_start3A_28, %dma_start3A_34] : memref<200x128xi32, #tpu.memory_space<vmem>> -> memref<1x128xi32, #tpu.memory_space<vmem>>
    %dma_start3A_36 = tpu.memref_squeeze %dma_start3A_35 : memref<1x128xi32, #tpu.memory_space<vmem>> -> memref<128xi32, #tpu.memory_space<vmem>>
    %dma_start3A_37 = arith.constant 0 : i32
    %dma_start3A_38 = arith.constant 0 : i32
    %dma_start3A_39 = tpu.memref_slice %arg7[%dma_start3A_37, %dma_start3A_38] : memref<1000x128xf32, #tpu.memory_space<vmem_shared>> -> memref<1000x128xf32, #tpu.memory_space<vmem_shared>>
    tpu.enqueue_indirect_dma source(%dma_start3A_39 : memref<1000x128xf32, #tpu.memory_space<vmem_shared>>) target(%dma_start3A_33 : memref<128x128xf32, #tpu.memory_space<vmem>>) offsets(%dma_start3A_36 : memref<128xi32, #tpu.memory_space<vmem>>) semaphore(%arg8 : memref<!tpu.dma_semaphore, #tpu.memory_space<semaphore_mem>>)
    %scan3A = arith.constant 0 : i32
    %scan3A_40 = arith.constant 50 : i32
    %scan3A_41 = arith.addi %scan3A, %scan3A_40 : i32
    %scan3A_42 = arith.constant 1 : i32
    scf.for %scan3A_58 = %scan3A to %scan3A_41 step %scan3A_42  : i32 {
      %mul3A_59 = arith.constant 4 : i32
      %mul3A_60 = arith.muli %mul3A_59, %scan3A_58 : i32
      %add3A_61 = arith.constant 0 : i32
      %add3A_62 = arith.addi %mul3A_60, %add3A_61 : i32
      %dma_wait3A_63 = arith.constant 0 : i32
      %dma_wait3A_64 = arith.constant 0 : i32
      %dma_wait3A_65 = arith.constant 0 : i32
      %dma_wait3A_66 = tpu.memref_slice %arg6[%dma_wait3A_63, %dma_wait3A_64, %dma_wait3A_65] : memref<4x128x128xf32, #tpu.memory_space<vmem>> -> memref<1x128x128xf32, #tpu.memory_space<vmem>>
      %dma_wait3A_67 = tpu.memref_squeeze %dma_wait3A_66 : memref<1x128x128xf32, #tpu.memory_space<vmem>> -> memref<128x128xf32, #tpu.memory_space<vmem>>
      %dma_wait3A_68 = arith.constant 0 : i32
      %dma_wait3A_69 = tpu.memref_slice %arg5[%add3A_62, %dma_wait3A_68] : memref<200x128xi32, #tpu.memory_space<vmem>> -> memref<1x128xi32, #tpu.memory_space<vmem>>
      %dma_wait3A_70 = tpu.memref_squeeze %dma_wait3A_69 : memref<1x128xi32, #tpu.memory_space<vmem>> -> memref<128xi32, #tpu.memory_space<vmem>>
      %dma_wait3A_71 = arith.constant 0 : i32
      %dma_wait3A_72 = arith.constant 0 : i32
      %dma_wait3A_73 = tpu.memref_slice %arg7[%dma_wait3A_71, %dma_wait3A_72] : memref<1000x128xf32, #tpu.memory_space<vmem_shared>> -> memref<1000x128xf32, #tpu.memory_space<vmem_shared>>
      tpu.wait_indirect_dma semaphore(%arg8 : memref<!tpu.dma_semaphore, #tpu.memory_space<semaphore_mem>>) src(%dma_wait3A_73 : memref<1000x128xf32, #tpu.memory_space<vmem_shared>>) dst(%dma_wait3A_67 : memref<128x128xf32, #tpu.memory_space<vmem>>)
      %mul3A_74 = arith.constant 128 : i32
      %mul3A_75 = arith.muli %add3A_62, %mul3A_74 : i32
      %add3A_76 = arith.addi %mul3A_2, %mul3A_75 : i32
      %dma_start3A_77 = arith.constant 0 : i32
      %dma_start3A_78 = arith.constant 0 : i32
      %dma_start3A_79 = arith.constant 0 : i32
      %dma_start3A_80 = tpu.memref_slice %arg6[%dma_start3A_77, %dma_start3A_78, %dma_start3A_79] : memref<4x128x128xf32, #tpu.memory_space<vmem>> -> memref<1x128x128xf32, #tpu.memory_space<vmem>>
      %dma_start3A_81 = tpu.memref_squeeze %dma_start3A_80 : memref<1x128x128xf32, #tpu.memory_space<vmem>> -> memref<128x128xf32, #tpu.memory_space<vmem>>
      %dma_start3A_82 = arith.constant 0 : i32
      %dma_start3A_83 = tpu.memref_slice %arg4[%add3A_76, %dma_start3A_82] : memref<819200x128xf32, #tpu.memory_space<hbm>> -> memref<128x128xf32, #tpu.memory_space<hbm>>
      %dma_start3A_84 = arith.constant 0 : i32
      %dma_start3A_85 = tpu.memref_slice %arg4[%add3A_76, %dma_start3A_84] : memref<819200x128xf32, #tpu.memory_space<hbm>> -> memref<128x128xf32, #tpu.memory_space<hbm>>
      %dma_start3A_86 = arith.constant 0 : i32
      %dma_start3A_87 = arith.constant 0 : i32
      %dma_start3A_88 = tpu.memref_slice %arg6[%dma_start3A_77, %dma_start3A_86, %dma_start3A_87] : memref<4x128x128xf32, #tpu.memory_space<vmem>> -> memref<1x128x128xf32, #tpu.memory_space<vmem>>
      %dma_start3A_89 = tpu.memref_squeeze %dma_start3A_88 : memref<1x128x128xf32, #tpu.memory_space<vmem>> -> memref<128x128xf32, #tpu.memory_space<vmem>>
      tpu.enqueue_dma source(%dma_start3A_89 : memref<128x128xf32, #tpu.memory_space<vmem>>) target(%dma_start3A_85 : memref<128x128xf32, #tpu.memory_space<hbm>>) target_semaphore(%arg9 : memref<!tpu.dma_semaphore, #tpu.memory_space<semaphore_mem>>)
      %gt3A = arith.constant 0 : i32
      %gt3A_90 = arith.cmpi sgt, %add3A_62, %gt3A : i32
      %convert_element_type3A_91 = arith.extui %gt3A_90 : i1 to i32
      %cond3A_92 = arith.constant 0 : i32
      %cond3A_93 = arith.cmpi ne, %convert_element_type3A_91, %cond3A_92 : i32
      scf.if %cond3A_93 {
        %sub3A_236 = arith.constant 1 : i32
        %sub3A_237 = arith.subi %add3A_62, %sub3A_236 : i32
        %mul3A_238 = arith.constant 128 : i32
        %mul3A_239 = arith.muli %sub3A_237, %mul3A_238 : i32
        %add3A_240 = arith.addi %mul3A_2, %mul3A_239 : i32
        %dma_wait3A_241 = arith.constant 3 : i32
        %dma_wait3A_242 = arith.constant 0 : i32
        %dma_wait3A_243 = arith.constant 0 : i32
        %dma_wait3A_244 = tpu.memref_slice %arg6[%dma_wait3A_241, %dma_wait3A_242, %dma_wait3A_243] : memref<4x128x128xf32, #tpu.memory_space<vmem>> -> memref<1x128x128xf32, #tpu.memory_space<vmem>>
        %dma_wait3A_245 = tpu.memref_squeeze %dma_wait3A_244 : memref<1x128x128xf32, #tpu.memory_space<vmem>> -> memref<128x128xf32, #tpu.memory_space<vmem>>
        %dma_wait3A_246 = arith.constant 0 : i32
        %dma_wait3A_247 = tpu.memref_slice %arg4[%add3A_240, %dma_wait3A_246] : memref<819200x128xf32, #tpu.memory_space<hbm>> -> memref<128x128xf32, #tpu.memory_space<hbm>>
        %dma_wait3A_248 = arith.constant 0 : i32
        %dma_wait3A_249 = tpu.memref_slice %arg4[%add3A_240, %dma_wait3A_248] : memref<819200x128xf32, #tpu.memory_space<hbm>> -> memref<128x128xf32, #tpu.memory_space<hbm>>
        %dma_wait3A_250 = arith.constant 0 : i32
        %dma_wait3A_251 = arith.constant 0 : i32
        %dma_wait3A_252 = tpu.memref_slice %arg6[%dma_wait3A_241, %dma_wait3A_250, %dma_wait3A_251] : memref<4x128x128xf32, #tpu.memory_space<vmem>> -> memref<1x128x128xf32, #tpu.memory_space<vmem>>
        %dma_wait3A_253 = tpu.memref_squeeze %dma_wait3A_252 : memref<1x128x128xf32, #tpu.memory_space<vmem>> -> memref<128x128xf32, #tpu.memory_space<vmem>>
        tpu.wait_dma2 semaphore(%arg9 : memref<!tpu.dma_semaphore, #tpu.memory_space<semaphore_mem>>) src(%dma_wait3A_253 : memref<128x128xf32, #tpu.memory_space<vmem>>) dst(%dma_wait3A_249 : memref<128x128xf32, #tpu.memory_space<hbm>>)
      } else {
      }
      %add3A_94 = arith.constant 4 : i32
      %add3A_95 = arith.addi %add3A_62, %add3A_94 : i32
      %sub3A = arith.constant 1 : i32
      %sub3A_96 = arith.subi %add3A_95, %sub3A : i32
      %lt3A = arith.constant 200 : i32
      %lt3A_97 = arith.cmpi slt, %sub3A_96, %lt3A : i32
      %convert_element_type3A_98 = arith.extui %lt3A_97 : i1 to i32
      %cond3A_99 = arith.constant 0 : i32
      %cond3A_100 = arith.cmpi ne, %convert_element_type3A_98, %cond3A_99 : i32
      scf.if %cond3A_100 {
        %add3A_236 = arith.constant 4 : i32
        %add3A_237 = arith.addi %add3A_62, %add3A_236 : i32
        %sub3A_238 = arith.constant 1 : i32
        %sub3A_239 = arith.subi %add3A_237, %sub3A_238 : i32
        %dma_start3A_240 = arith.constant 3 : i32
        %dma_start3A_241 = arith.constant 0 : i32
        %dma_start3A_242 = arith.constant 0 : i32
        %dma_start3A_243 = tpu.memref_slice %arg6[%dma_start3A_240, %dma_start3A_241, %dma_start3A_242] : memref<4x128x128xf32, #tpu.memory_space<vmem>> -> memref<1x128x128xf32, #tpu.memory_space<vmem>>
        %dma_start3A_244 = tpu.memref_squeeze %dma_start3A_243 : memref<1x128x128xf32, #tpu.memory_space<vmem>> -> memref<128x128xf32, #tpu.memory_space<vmem>>
        %dma_start3A_245 = arith.constant 0 : i32
        %dma_start3A_246 = tpu.memref_slice %arg5[%sub3A_239, %dma_start3A_245] : memref<200x128xi32, #tpu.memory_space<vmem>> -> memref<1x128xi32, #tpu.memory_space<vmem>>
        %dma_start3A_247 = tpu.memref_squeeze %dma_start3A_246 : memref<1x128xi32, #tpu.memory_space<vmem>> -> memref<128xi32, #tpu.memory_space<vmem>>
        %dma_start3A_248 = arith.constant 0 : i32
        %dma_start3A_249 = arith.constant 0 : i32
        %dma_start3A_250 = tpu.memref_slice %arg7[%dma_start3A_248, %dma_start3A_249] : memref<1000x128xf32, #tpu.memory_space<vmem_shared>> -> memref<1000x128xf32, #tpu.memory_space<vmem_shared>>
        tpu.enqueue_indirect_dma source(%dma_start3A_250 : memref<1000x128xf32, #tpu.memory_space<vmem_shared>>) target(%dma_start3A_244 : memref<128x128xf32, #tpu.memory_space<vmem>>) offsets(%dma_start3A_247 : memref<128xi32, #tpu.memory_space<vmem>>) semaphore(%arg8 : memref<!tpu.dma_semaphore, #tpu.memory_space<semaphore_mem>>)
      } else {
      }
      %mul3A_101 = arith.constant 4 : i32
      %mul3A_102 = arith.muli %mul3A_101, %scan3A_58 : i32
      %add3A_103 = arith.constant 1 : i32
      %add3A_104 = arith.addi %mul3A_102, %add3A_103 : i32
      %dma_wait3A_105 = arith.constant 1 : i32
      %dma_wait3A_106 = arith.constant 0 : i32
      %dma_wait3A_107 = arith.constant 0 : i32
      %dma_wait3A_108 = tpu.memref_slice %arg6[%dma_wait3A_105, %dma_wait3A_106, %dma_wait3A_107] : memref<4x128x128xf32, #tpu.memory_space<vmem>> -> memref<1x128x128xf32, #tpu.memory_space<vmem>>
      %dma_wait3A_109 = tpu.memref_squeeze %dma_wait3A_108 : memref<1x128x128xf32, #tpu.memory_space<vmem>> -> memref<128x128xf32, #tpu.memory_space<vmem>>
      %dma_wait3A_110 = arith.constant 0 : i32
      %dma_wait3A_111 = tpu.memref_slice %arg5[%add3A_104, %dma_wait3A_110] : memref<200x128xi32, #tpu.memory_space<vmem>> -> memref<1x128xi32, #tpu.memory_space<vmem>>
      %dma_wait3A_112 = tpu.memref_squeeze %dma_wait3A_111 : memref<1x128xi32, #tpu.memory_space<vmem>> -> memref<128xi32, #tpu.memory_space<vmem>>
      %dma_wait3A_113 = arith.constant 0 : i32
      %dma_wait3A_114 = arith.constant 0 : i32
      %dma_wait3A_115 = tpu.memref_slice %arg7[%dma_wait3A_113, %dma_wait3A_114] : memref<1000x128xf32, #tpu.memory_space<vmem_shared>> -> memref<1000x128xf32, #tpu.memory_space<vmem_shared>>
      tpu.wait_indirect_dma semaphore(%arg8 : memref<!tpu.dma_semaphore, #tpu.memory_space<semaphore_mem>>) src(%dma_wait3A_115 : memref<1000x128xf32, #tpu.memory_space<vmem_shared>>) dst(%dma_wait3A_109 : memref<128x128xf32, #tpu.memory_space<vmem>>)
      %mul3A_116 = arith.constant 128 : i32
      %mul3A_117 = arith.muli %add3A_104, %mul3A_116 : i32
      %add3A_118 = arith.addi %mul3A_2, %mul3A_117 : i32
      %dma_start3A_119 = arith.constant 1 : i32
      %dma_start3A_120 = arith.constant 0 : i32
      %dma_start3A_121 = arith.constant 0 : i32
      %dma_start3A_122 = tpu.memref_slice %arg6[%dma_start3A_119, %dma_start3A_120, %dma_start3A_121] : memref<4x128x128xf32, #tpu.memory_space<vmem>> -> memref<1x128x128xf32, #tpu.memory_space<vmem>>
      %dma_start3A_123 = tpu.memref_squeeze %dma_start3A_122 : memref<1x128x128xf32, #tpu.memory_space<vmem>> -> memref<128x128xf32, #tpu.memory_space<vmem>>
      %dma_start3A_124 = arith.constant 0 : i32
      %dma_start3A_125 = tpu.memref_slice %arg4[%add3A_118, %dma_start3A_124] : memref<819200x128xf32, #tpu.memory_space<hbm>> -> memref<128x128xf32, #tpu.memory_space<hbm>>
      %dma_start3A_126 = arith.constant 0 : i32
      %dma_start3A_127 = tpu.memref_slice %arg4[%add3A_118, %dma_start3A_126] : memref<819200x128xf32, #tpu.memory_space<hbm>> -> memref<128x128xf32, #tpu.memory_space<hbm>>
      %dma_start3A_128 = arith.constant 0 : i32
      %dma_start3A_129 = arith.constant 0 : i32
      %dma_start3A_130 = tpu.memref_slice %arg6[%dma_start3A_119, %dma_start3A_128, %dma_start3A_129] : memref<4x128x128xf32, #tpu.memory_space<vmem>> -> memref<1x128x128xf32, #tpu.memory_space<vmem>>
      %dma_start3A_131 = tpu.memref_squeeze %dma_start3A_130 : memref<1x128x128xf32, #tpu.memory_space<vmem>> -> memref<128x128xf32, #tpu.memory_space<vmem>>
      tpu.enqueue_dma source(%dma_start3A_131 : memref<128x128xf32, #tpu.memory_space<vmem>>) target(%dma_start3A_127 : memref<128x128xf32, #tpu.memory_space<hbm>>) target_semaphore(%arg9 : memref<!tpu.dma_semaphore, #tpu.memory_space<semaphore_mem>>)
      %gt3A_132 = arith.constant 0 : i32
      %gt3A_133 = arith.cmpi sgt, %add3A_104, %gt3A_132 : i32
      %convert_element_type3A_134 = arith.extui %gt3A_133 : i1 to i32
      %cond3A_135 = arith.constant 0 : i32
      %cond3A_136 = arith.cmpi ne, %convert_element_type3A_134, %cond3A_135 : i32
      scf.if %cond3A_136 {
        %sub3A_236 = arith.constant 1 : i32
        %sub3A_237 = arith.subi %add3A_104, %sub3A_236 : i32
        %mul3A_238 = arith.constant 128 : i32
        %mul3A_239 = arith.muli %sub3A_237, %mul3A_238 : i32
        %add3A_240 = arith.addi %mul3A_2, %mul3A_239 : i32
        %dma_wait3A_241 = arith.constant 0 : i32
        %dma_wait3A_242 = arith.constant 0 : i32
        %dma_wait3A_243 = arith.constant 0 : i32
        %dma_wait3A_244 = tpu.memref_slice %arg6[%dma_wait3A_241, %dma_wait3A_242, %dma_wait3A_243] : memref<4x128x128xf32, #tpu.memory_space<vmem>> -> memref<1x128x128xf32, #tpu.memory_space<vmem>>
        %dma_wait3A_245 = tpu.memref_squeeze %dma_wait3A_244 : memref<1x128x128xf32, #tpu.memory_space<vmem>> -> memref<128x128xf32, #tpu.memory_space<vmem>>
        %dma_wait3A_246 = arith.constant 0 : i32
        %dma_wait3A_247 = tpu.memref_slice %arg4[%add3A_240, %dma_wait3A_246] : memref<819200x128xf32, #tpu.memory_space<hbm>> -> memref<128x128xf32, #tpu.memory_space<hbm>>
        %dma_wait3A_248 = arith.constant 0 : i32
        %dma_wait3A_249 = tpu.memref_slice %arg4[%add3A_240, %dma_wait3A_248] : memref<819200x128xf32, #tpu.memory_space<hbm>> -> memref<128x128xf32, #tpu.memory_space<hbm>>
        %dma_wait3A_250 = arith.constant 0 : i32
        %dma_wait3A_251 = arith.constant 0 : i32
        %dma_wait3A_252 = tpu.memref_slice %arg6[%dma_wait3A_241, %dma_wait3A_250, %dma_wait3A_251] : memref<4x128x128xf32, #tpu.memory_space<vmem>> -> memref<1x128x128xf32, #tpu.memory_space<vmem>>
        %dma_wait3A_253 = tpu.memref_squeeze %dma_wait3A_252 : memref<1x128x128xf32, #tpu.memory_space<vmem>> -> memref<128x128xf32, #tpu.memory_space<vmem>>
        tpu.wait_dma2 semaphore(%arg9 : memref<!tpu.dma_semaphore, #tpu.memory_space<semaphore_mem>>) src(%dma_wait3A_253 : memref<128x128xf32, #tpu.memory_space<vmem>>) dst(%dma_wait3A_249 : memref<128x128xf32, #tpu.memory_space<hbm>>)
      } else {
      }
      %add3A_137 = arith.constant 4 : i32
      %add3A_138 = arith.addi %add3A_104, %add3A_137 : i32
      %sub3A_139 = arith.constant 1 : i32
      %sub3A_140 = arith.subi %add3A_138, %sub3A_139 : i32
      %lt3A_141 = arith.constant 200 : i32
      %lt3A_142 = arith.cmpi slt, %sub3A_140, %lt3A_141 : i32
      %convert_element_type3A_143 = arith.extui %lt3A_142 : i1 to i32
      %cond3A_144 = arith.constant 0 : i32
      %cond3A_145 = arith.cmpi ne, %convert_element_type3A_143, %cond3A_144 : i32
      scf.if %cond3A_145 {
        %add3A_236 = arith.constant 4 : i32
        %add3A_237 = arith.addi %add3A_104, %add3A_236 : i32
        %sub3A_238 = arith.constant 1 : i32
        %sub3A_239 = arith.subi %add3A_237, %sub3A_238 : i32
        %dma_start3A_240 = arith.constant 0 : i32
        %dma_start3A_241 = arith.constant 0 : i32
        %dma_start3A_242 = arith.constant 0 : i32
        %dma_start3A_243 = tpu.memref_slice %arg6[%dma_start3A_240, %dma_start3A_241, %dma_start3A_242] : memref<4x128x128xf32, #tpu.memory_space<vmem>> -> memref<1x128x128xf32, #tpu.memory_space<vmem>>
        %dma_start3A_244 = tpu.memref_squeeze %dma_start3A_243 : memref<1x128x128xf32, #tpu.memory_space<vmem>> -> memref<128x128xf32, #tpu.memory_space<vmem>>
        %dma_start3A_245 = arith.constant 0 : i32
        %dma_start3A_246 = tpu.memref_slice %arg5[%sub3A_239, %dma_start3A_245] : memref<200x128xi32, #tpu.memory_space<vmem>> -> memref<1x128xi32, #tpu.memory_space<vmem>>
        %dma_start3A_247 = tpu.memref_squeeze %dma_start3A_246 : memref<1x128xi32, #tpu.memory_space<vmem>> -> memref<128xi32, #tpu.memory_space<vmem>>
        %dma_start3A_248 = arith.constant 0 : i32
        %dma_start3A_249 = arith.constant 0 : i32
        %dma_start3A_250 = tpu.memref_slice %arg7[%dma_start3A_248, %dma_start3A_249] : memref<1000x128xf32, #tpu.memory_space<vmem_shared>> -> memref<1000x128xf32, #tpu.memory_space<vmem_shared>>
        tpu.enqueue_indirect_dma source(%dma_start3A_250 : memref<1000x128xf32, #tpu.memory_space<vmem_shared>>) target(%dma_start3A_244 : memref<128x128xf32, #tpu.memory_space<vmem>>) offsets(%dma_start3A_247 : memref<128xi32, #tpu.memory_space<vmem>>) semaphore(%arg8 : memref<!tpu.dma_semaphore, #tpu.memory_space<semaphore_mem>>)
      } else {
      }
      %mul3A_146 = arith.constant 4 : i32
      %mul3A_147 = arith.muli %mul3A_146, %scan3A_58 : i32
      %add3A_148 = arith.constant 2 : i32
      %add3A_149 = arith.addi %mul3A_147, %add3A_148 : i32
      %dma_wait3A_150 = arith.constant 2 : i32
      %dma_wait3A_151 = arith.constant 0 : i32
      %dma_wait3A_152 = arith.constant 0 : i32
      %dma_wait3A_153 = tpu.memref_slice %arg6[%dma_wait3A_150, %dma_wait3A_151, %dma_wait3A_152] : memref<4x128x128xf32, #tpu.memory_space<vmem>> -> memref<1x128x128xf32, #tpu.memory_space<vmem>>
      %dma_wait3A_154 = tpu.memref_squeeze %dma_wait3A_153 : memref<1x128x128xf32, #tpu.memory_space<vmem>> -> memref<128x128xf32, #tpu.memory_space<vmem>>
      %dma_wait3A_155 = arith.constant 0 : i32
      %dma_wait3A_156 = tpu.memref_slice %arg5[%add3A_149, %dma_wait3A_155] : memref<200x128xi32, #tpu.memory_space<vmem>> -> memref<1x128xi32, #tpu.memory_space<vmem>>
      %dma_wait3A_157 = tpu.memref_squeeze %dma_wait3A_156 : memref<1x128xi32, #tpu.memory_space<vmem>> -> memref<128xi32, #tpu.memory_space<vmem>>
      %dma_wait3A_158 = arith.constant 0 : i32
      %dma_wait3A_159 = arith.constant 0 : i32
      %dma_wait3A_160 = tpu.memref_slice %arg7[%dma_wait3A_158, %dma_wait3A_159] : memref<1000x128xf32, #tpu.memory_space<vmem_shared>> -> memref<1000x128xf32, #tpu.memory_space<vmem_shared>>
      tpu.wait_indirect_dma semaphore(%arg8 : memref<!tpu.dma_semaphore, #tpu.memory_space<semaphore_mem>>) src(%dma_wait3A_160 : memref<1000x128xf32, #tpu.memory_space<vmem_shared>>) dst(%dma_wait3A_154 : memref<128x128xf32, #tpu.memory_space<vmem>>)
      %mul3A_161 = arith.constant 128 : i32
      %mul3A_162 = arith.muli %add3A_149, %mul3A_161 : i32
      %add3A_163 = arith.addi %mul3A_2, %mul3A_162 : i32
      %dma_start3A_164 = arith.constant 2 : i32
      %dma_start3A_165 = arith.constant 0 : i32
      %dma_start3A_166 = arith.constant 0 : i32
      %dma_start3A_167 = tpu.memref_slice %arg6[%dma_start3A_164, %dma_start3A_165, %dma_start3A_166] : memref<4x128x128xf32, #tpu.memory_space<vmem>> -> memref<1x128x128xf32, #tpu.memory_space<vmem>>
      %dma_start3A_168 = tpu.memref_squeeze %dma_start3A_167 : memref<1x128x128xf32, #tpu.memory_space<vmem>> -> memref<128x128xf32, #tpu.memory_space<vmem>>
      %dma_start3A_169 = arith.constant 0 : i32
      %dma_start3A_170 = tpu.memref_slice %arg4[%add3A_163, %dma_start3A_169] : memref<819200x128xf32, #tpu.memory_space<hbm>> -> memref<128x128xf32, #tpu.memory_space<hbm>>
      %dma_start3A_171 = arith.constant 0 : i32
      %dma_start3A_172 = tpu.memref_slice %arg4[%add3A_163, %dma_start3A_171] : memref<819200x128xf32, #tpu.memory_space<hbm>> -> memref<128x128xf32, #tpu.memory_space<hbm>>
      %dma_start3A_173 = arith.constant 0 : i32
      %dma_start3A_174 = arith.constant 0 : i32
      %dma_start3A_175 = tpu.memref_slice %arg6[%dma_start3A_164, %dma_start3A_173, %dma_start3A_174] : memref<4x128x128xf32, #tpu.memory_space<vmem>> -> memref<1x128x128xf32, #tpu.memory_space<vmem>>
      %dma_start3A_176 = tpu.memref_squeeze %dma_start3A_175 : memref<1x128x128xf32, #tpu.memory_space<vmem>> -> memref<128x128xf32, #tpu.memory_space<vmem>>
      tpu.enqueue_dma source(%dma_start3A_176 : memref<128x128xf32, #tpu.memory_space<vmem>>) target(%dma_start3A_172 : memref<128x128xf32, #tpu.memory_space<hbm>>) target_semaphore(%arg9 : memref<!tpu.dma_semaphore, #tpu.memory_space<semaphore_mem>>)
      %gt3A_177 = arith.constant 0 : i32
      %gt3A_178 = arith.cmpi sgt, %add3A_149, %gt3A_177 : i32
      %convert_element_type3A_179 = arith.extui %gt3A_178 : i1 to i32
      %cond3A_180 = arith.constant 0 : i32
      %cond3A_181 = arith.cmpi ne, %convert_element_type3A_179, %cond3A_180 : i32
      scf.if %cond3A_181 {
        %sub3A_236 = arith.constant 1 : i32
        %sub3A_237 = arith.subi %add3A_149, %sub3A_236 : i32
        %mul3A_238 = arith.constant 128 : i32
        %mul3A_239 = arith.muli %sub3A_237, %mul3A_238 : i32
        %add3A_240 = arith.addi %mul3A_2, %mul3A_239 : i32
        %dma_wait3A_241 = arith.constant 1 : i32
        %dma_wait3A_242 = arith.constant 0 : i32
        %dma_wait3A_243 = arith.constant 0 : i32
        %dma_wait3A_244 = tpu.memref_slice %arg6[%dma_wait3A_241, %dma_wait3A_242, %dma_wait3A_243] : memref<4x128x128xf32, #tpu.memory_space<vmem>> -> memref<1x128x128xf32, #tpu.memory_space<vmem>>
        %dma_wait3A_245 = tpu.memref_squeeze %dma_wait3A_244 : memref<1x128x128xf32, #tpu.memory_space<vmem>> -> memref<128x128xf32, #tpu.memory_space<vmem>>
        %dma_wait3A_246 = arith.constant 0 : i32
        %dma_wait3A_247 = tpu.memref_slice %arg4[%add3A_240, %dma_wait3A_246] : memref<819200x128xf32, #tpu.memory_space<hbm>> -> memref<128x128xf32, #tpu.memory_space<hbm>>
        %dma_wait3A_248 = arith.constant 0 : i32
        %dma_wait3A_249 = tpu.memref_slice %arg4[%add3A_240, %dma_wait3A_248] : memref<819200x128xf32, #tpu.memory_space<hbm>> -> memref<128x128xf32, #tpu.memory_space<hbm>>
        %dma_wait3A_250 = arith.constant 0 : i32
        %dma_wait3A_251 = arith.constant 0 : i32
        %dma_wait3A_252 = tpu.memref_slice %arg6[%dma_wait3A_241, %dma_wait3A_250, %dma_wait3A_251] : memref<4x128x128xf32, #tpu.memory_space<vmem>> -> memref<1x128x128xf32, #tpu.memory_space<vmem>>
        %dma_wait3A_253 = tpu.memref_squeeze %dma_wait3A_252 : memref<1x128x128xf32, #tpu.memory_space<vmem>> -> memref<128x128xf32, #tpu.memory_space<vmem>>
        tpu.wait_dma2 semaphore(%arg9 : memref<!tpu.dma_semaphore, #tpu.memory_space<semaphore_mem>>) src(%dma_wait3A_253 : memref<128x128xf32, #tpu.memory_space<vmem>>) dst(%dma_wait3A_249 : memref<128x128xf32, #tpu.memory_space<hbm>>)
      } else {
      }
      %add3A_182 = arith.constant 4 : i32
      %add3A_183 = arith.addi %add3A_149, %add3A_182 : i32
      %sub3A_184 = arith.constant 1 : i32
      %sub3A_185 = arith.subi %add3A_183, %sub3A_184 : i32
      %lt3A_186 = arith.constant 200 : i32
      %lt3A_187 = arith.cmpi slt, %sub3A_185, %lt3A_186 : i32
      %convert_element_type3A_188 = arith.extui %lt3A_187 : i1 to i32
      %cond3A_189 = arith.constant 0 : i32
      %cond3A_190 = arith.cmpi ne, %convert_element_type3A_188, %cond3A_189 : i32
      scf.if %cond3A_190 {
        %add3A_236 = arith.constant 4 : i32
        %add3A_237 = arith.addi %add3A_149, %add3A_236 : i32
        %sub3A_238 = arith.constant 1 : i32
        %sub3A_239 = arith.subi %add3A_237, %sub3A_238 : i32
        %dma_start3A_240 = arith.constant 1 : i32
        %dma_start3A_241 = arith.constant 0 : i32
        %dma_start3A_242 = arith.constant 0 : i32
        %dma_start3A_243 = tpu.memref_slice %arg6[%dma_start3A_240, %dma_start3A_241, %dma_start3A_242] : memref<4x128x128xf32, #tpu.memory_space<vmem>> -> memref<1x128x128xf32, #tpu.memory_space<vmem>>
        %dma_start3A_244 = tpu.memref_squeeze %dma_start3A_243 : memref<1x128x128xf32, #tpu.memory_space<vmem>> -> memref<128x128xf32, #tpu.memory_space<vmem>>
        %dma_start3A_245 = arith.constant 0 : i32
        %dma_start3A_246 = tpu.memref_slice %arg5[%sub3A_239, %dma_start3A_245] : memref<200x128xi32, #tpu.memory_space<vmem>> -> memref<1x128xi32, #tpu.memory_space<vmem>>
        %dma_start3A_247 = tpu.memref_squeeze %dma_start3A_246 : memref<1x128xi32, #tpu.memory_space<vmem>> -> memref<128xi32, #tpu.memory_space<vmem>>
        %dma_start3A_248 = arith.constant 0 : i32
        %dma_start3A_249 = arith.constant 0 : i32
        %dma_start3A_250 = tpu.memref_slice %arg7[%dma_start3A_248, %dma_start3A_249] : memref<1000x128xf32, #tpu.memory_space<vmem_shared>> -> memref<1000x128xf32, #tpu.memory_space<vmem_shared>>
        tpu.enqueue_indirect_dma source(%dma_start3A_250 : memref<1000x128xf32, #tpu.memory_space<vmem_shared>>) target(%dma_start3A_244 : memref<128x128xf32, #tpu.memory_space<vmem>>) offsets(%dma_start3A_247 : memref<128xi32, #tpu.memory_space<vmem>>) semaphore(%arg8 : memref<!tpu.dma_semaphore, #tpu.memory_space<semaphore_mem>>)
      } else {
      }
      %mul3A_191 = arith.constant 4 : i32
      %mul3A_192 = arith.muli %mul3A_191, %scan3A_58 : i32
      %add3A_193 = arith.constant 3 : i32
      %add3A_194 = arith.addi %mul3A_192, %add3A_193 : i32
      %dma_wait3A_195 = arith.constant 3 : i32
      %dma_wait3A_196 = arith.constant 0 : i32
      %dma_wait3A_197 = arith.constant 0 : i32
      %dma_wait3A_198 = tpu.memref_slice %arg6[%dma_wait3A_195, %dma_wait3A_196, %dma_wait3A_197] : memref<4x128x128xf32, #tpu.memory_space<vmem>> -> memref<1x128x128xf32, #tpu.memory_space<vmem>>
      %dma_wait3A_199 = tpu.memref_squeeze %dma_wait3A_198 : memref<1x128x128xf32, #tpu.memory_space<vmem>> -> memref<128x128xf32, #tpu.memory_space<vmem>>
      %dma_wait3A_200 = arith.constant 0 : i32
      %dma_wait3A_201 = tpu.memref_slice %arg5[%add3A_194, %dma_wait3A_200] : memref<200x128xi32, #tpu.memory_space<vmem>> -> memref<1x128xi32, #tpu.memory_space<vmem>>
      %dma_wait3A_202 = tpu.memref_squeeze %dma_wait3A_201 : memref<1x128xi32, #tpu.memory_space<vmem>> -> memref<128xi32, #tpu.memory_space<vmem>>
      %dma_wait3A_203 = arith.constant 0 : i32
      %dma_wait3A_204 = arith.constant 0 : i32
      %dma_wait3A_205 = tpu.memref_slice %arg7[%dma_wait3A_203, %dma_wait3A_204] : memref<1000x128xf32, #tpu.memory_space<vmem_shared>> -> memref<1000x128xf32, #tpu.memory_space<vmem_shared>>
      tpu.wait_indirect_dma semaphore(%arg8 : memref<!tpu.dma_semaphore, #tpu.memory_space<semaphore_mem>>) src(%dma_wait3A_205 : memref<1000x128xf32, #tpu.memory_space<vmem_shared>>) dst(%dma_wait3A_199 : memref<128x128xf32, #tpu.memory_space<vmem>>)
      %mul3A_206 = arith.constant 128 : i32
      %mul3A_207 = arith.muli %add3A_194, %mul3A_206 : i32
      %add3A_208 = arith.addi %mul3A_2, %mul3A_207 : i32
      %dma_start3A_209 = arith.constant 3 : i32
      %dma_start3A_210 = arith.constant 0 : i32
      %dma_start3A_211 = arith.constant 0 : i32
      %dma_start3A_212 = tpu.memref_slice %arg6[%dma_start3A_209, %dma_start3A_210, %dma_start3A_211] : memref<4x128x128xf32, #tpu.memory_space<vmem>> -> memref<1x128x128xf32, #tpu.memory_space<vmem>>
      %dma_start3A_213 = tpu.memref_squeeze %dma_start3A_212 : memref<1x128x128xf32, #tpu.memory_space<vmem>> -> memref<128x128xf32, #tpu.memory_space<vmem>>
      %dma_start3A_214 = arith.constant 0 : i32
      %dma_start3A_215 = tpu.memref_slice %arg4[%add3A_208, %dma_start3A_214] : memref<819200x128xf32, #tpu.memory_space<hbm>> -> memref<128x128xf32, #tpu.memory_space<hbm>>
      %dma_start3A_216 = arith.constant 0 : i32
      %dma_start3A_217 = tpu.memref_slice %arg4[%add3A_208, %dma_start3A_216] : memref<819200x128xf32, #tpu.memory_space<hbm>> -> memref<128x128xf32, #tpu.memory_space<hbm>>
      %dma_start3A_218 = arith.constant 0 : i32
      %dma_start3A_219 = arith.constant 0 : i32
      %dma_start3A_220 = tpu.memref_slice %arg6[%dma_start3A_209, %dma_start3A_218, %dma_start3A_219] : memref<4x128x128xf32, #tpu.memory_space<vmem>> -> memref<1x128x128xf32, #tpu.memory_space<vmem>>
      %dma_start3A_221 = tpu.memref_squeeze %dma_start3A_220 : memref<1x128x128xf32, #tpu.memory_space<vmem>> -> memref<128x128xf32, #tpu.memory_space<vmem>>
      tpu.enqueue_dma source(%dma_start3A_221 : memref<128x128xf32, #tpu.memory_space<vmem>>) target(%dma_start3A_217 : memref<128x128xf32, #tpu.memory_space<hbm>>) target_semaphore(%arg9 : memref<!tpu.dma_semaphore, #tpu.memory_space<semaphore_mem>>)
      %gt3A_222 = arith.constant 0 : i32
      %gt3A_223 = arith.cmpi sgt, %add3A_194, %gt3A_222 : i32
      %convert_element_type3A_224 = arith.extui %gt3A_223 : i1 to i32
      %cond3A_225 = arith.constant 0 : i32
      %cond3A_226 = arith.cmpi ne, %convert_element_type3A_224, %cond3A_225 : i32
      scf.if %cond3A_226 {
        %sub3A_236 = arith.constant 1 : i32
        %sub3A_237 = arith.subi %add3A_194, %sub3A_236 : i32
        %mul3A_238 = arith.constant 128 : i32
        %mul3A_239 = arith.muli %sub3A_237, %mul3A_238 : i32
        %add3A_240 = arith.addi %mul3A_2, %mul3A_239 : i32
        %dma_wait3A_241 = arith.constant 2 : i32
        %dma_wait3A_242 = arith.constant 0 : i32
        %dma_wait3A_243 = arith.constant 0 : i32
        %dma_wait3A_244 = tpu.memref_slice %arg6[%dma_wait3A_241, %dma_wait3A_242, %dma_wait3A_243] : memref<4x128x128xf32, #tpu.memory_space<vmem>> -> memref<1x128x128xf32, #tpu.memory_space<vmem>>
        %dma_wait3A_245 = tpu.memref_squeeze %dma_wait3A_244 : memref<1x128x128xf32, #tpu.memory_space<vmem>> -> memref<128x128xf32, #tpu.memory_space<vmem>>
        %dma_wait3A_246 = arith.constant 0 : i32
        %dma_wait3A_247 = tpu.memref_slice %arg4[%add3A_240, %dma_wait3A_246] : memref<819200x128xf32, #tpu.memory_space<hbm>> -> memref<128x128xf32, #tpu.memory_space<hbm>>
        %dma_wait3A_248 = arith.constant 0 : i32
        %dma_wait3A_249 = tpu.memref_slice %arg4[%add3A_240, %dma_wait3A_248] : memref<819200x128xf32, #tpu.memory_space<hbm>> -> memref<128x128xf32, #tpu.memory_space<hbm>>
        %dma_wait3A_250 = arith.constant 0 : i32
        %dma_wait3A_251 = arith.constant 0 : i32
        %dma_wait3A_252 = tpu.memref_slice %arg6[%dma_wait3A_241, %dma_wait3A_250, %dma_wait3A_251] : memref<4x128x128xf32, #tpu.memory_space<vmem>> -> memref<1x128x128xf32, #tpu.memory_space<vmem>>
        %dma_wait3A_253 = tpu.memref_squeeze %dma_wait3A_252 : memref<1x128x128xf32, #tpu.memory_space<vmem>> -> memref<128x128xf32, #tpu.memory_space<vmem>>
        tpu.wait_dma2 semaphore(%arg9 : memref<!tpu.dma_semaphore, #tpu.memory_space<semaphore_mem>>) src(%dma_wait3A_253 : memref<128x128xf32, #tpu.memory_space<vmem>>) dst(%dma_wait3A_249 : memref<128x128xf32, #tpu.memory_space<hbm>>)
      } else {
      }
      %add3A_227 = arith.constant 4 : i32
      %add3A_228 = arith.addi %add3A_194, %add3A_227 : i32
      %sub3A_229 = arith.constant 1 : i32
      %sub3A_230 = arith.subi %add3A_228, %sub3A_229 : i32
      %lt3A_231 = arith.constant 200 : i32
      %lt3A_232 = arith.cmpi slt, %sub3A_230, %lt3A_231 : i32
      %convert_element_type3A_233 = arith.extui %lt3A_232 : i1 to i32
      %cond3A_234 = arith.constant 0 : i32
      %cond3A_235 = arith.cmpi ne, %convert_element_type3A_233, %cond3A_234 : i32
      scf.if %cond3A_235 {
        %add3A_236 = arith.constant 4 : i32
        %add3A_237 = arith.addi %add3A_194, %add3A_236 : i32
        %sub3A_238 = arith.constant 1 : i32
        %sub3A_239 = arith.subi %add3A_237, %sub3A_238 : i32
        %dma_start3A_240 = arith.constant 2 : i32
        %dma_start3A_241 = arith.constant 0 : i32
        %dma_start3A_242 = arith.constant 0 : i32
        %dma_start3A_243 = tpu.memref_slice %arg6[%dma_start3A_240, %dma_start3A_241, %dma_start3A_242] : memref<4x128x128xf32, #tpu.memory_space<vmem>> -> memref<1x128x128xf32, #tpu.memory_space<vmem>>
        %dma_start3A_244 = tpu.memref_squeeze %dma_start3A_243 : memref<1x128x128xf32, #tpu.memory_space<vmem>> -> memref<128x128xf32, #tpu.memory_space<vmem>>
        %dma_start3A_245 = arith.constant 0 : i32
        %dma_start3A_246 = tpu.memref_slice %arg5[%sub3A_239, %dma_start3A_245] : memref<200x128xi32, #tpu.memory_space<vmem>> -> memref<1x128xi32, #tpu.memory_space<vmem>>
        %dma_start3A_247 = tpu.memref_squeeze %dma_start3A_246 : memref<1x128xi32, #tpu.memory_space<vmem>> -> memref<128xi32, #tpu.memory_space<vmem>>
        %dma_start3A_248 = arith.constant 0 : i32
        %dma_start3A_249 = arith.constant 0 : i32
        %dma_start3A_250 = tpu.memref_slice %arg7[%dma_start3A_248, %dma_start3A_249] : memref<1000x128xf32, #tpu.memory_space<vmem_shared>> -> memref<1000x128xf32, #tpu.memory_space<vmem_shared>>
        tpu.enqueue_indirect_dma source(%dma_start3A_250 : memref<1000x128xf32, #tpu.memory_space<vmem_shared>>) target(%dma_start3A_244 : memref<128x128xf32, #tpu.memory_space<vmem>>) offsets(%dma_start3A_247 : memref<128xi32, #tpu.memory_space<vmem>>) semaphore(%arg8 : memref<!tpu.dma_semaphore, #tpu.memory_space<semaphore_mem>>)
      } else {
      }
    }
    %scan3A_43 = arith.constant 50 : i32
    %add3A_44 = arith.constant 25472 : i32
    %add3A_45 = arith.addi %mul3A_2, %add3A_44 : i32
    %dma_wait3A = arith.constant 3 : i32
    %dma_wait3A_46 = arith.constant 0 : i32
    %dma_wait3A_47 = arith.constant 0 : i32
    %dma_wait3A_48 = tpu.memref_slice %arg6[%dma_wait3A, %dma_wait3A_46, %dma_wait3A_47] : memref<4x128x128xf32, #tpu.memory_space<vmem>> -> memref<1x128x128xf32, #tpu.memory_space<vmem>>
    %dma_wait3A_49 = tpu.memref_squeeze %dma_wait3A_48 : memref<1x128x128xf32, #tpu.memory_space<vmem>> -> memref<128x128xf32, #tpu.memory_space<vmem>>
    %dma_wait3A_50 = arith.constant 0 : i32
    %dma_wait3A_51 = tpu.memref_slice %arg4[%add3A_45, %dma_wait3A_50] : memref<819200x128xf32, #tpu.memory_space<hbm>> -> memref<128x128xf32, #tpu.memory_space<hbm>>
    %dma_wait3A_52 = arith.constant 0 : i32
    %dma_wait3A_53 = tpu.memref_slice %arg4[%add3A_45, %dma_wait3A_52] : memref<819200x128xf32, #tpu.memory_space<hbm>> -> memref<128x128xf32, #tpu.memory_space<hbm>>
    %dma_wait3A_54 = arith.constant 0 : i32
    %dma_wait3A_55 = arith.constant 0 : i32
    %dma_wait3A_56 = tpu.memref_slice %arg6[%dma_wait3A, %dma_wait3A_54, %dma_wait3A_55] : memref<4x128x128xf32, #tpu.memory_space<vmem>> -> memref<1x128x128xf32, #tpu.memory_space<vmem>>
    %dma_wait3A_57 = tpu.memref_squeeze %dma_wait3A_56 : memref<1x128x128xf32, #tpu.memory_space<vmem>> -> memref<128x128xf32, #tpu.memory_space<vmem>>
    tpu.wait_dma2 semaphore(%arg9 : memref<!tpu.dma_semaphore, #tpu.memory_space<semaphore_mem>>) src(%dma_wait3A_57 : memref<128x128xf32, #tpu.memory_space<vmem>>) dst(%dma_wait3A_53 : memref<128x128xf32, #tpu.memory_space<hbm>>)
    return
  }
}

</mosaic_0001>

<sc_bundles>
// kernel: _embed.3.cloned.1.call-start
scs
__scs_entry_jumppad:
0x0: {  	(pc) =	sbr.rel $0x88, $3  }
0x1: {  	(tag) =	ssettag $0x0;
	lr =	simm.s32 $0x1  }
0x2: {  	[smem:$0x3F9F] =	sst lr;
	_ =	strace $0xD0000000  }
0x3: {  	_ = 	snop  }
0x4: {  	_ = 	snop  }
0x5: {  	_ = 	snop  }
0x6: {  	_ = 	snop  }
0x7: {  	_ = 	snop  }
__scs_overlays_trampoline_lowered:
0x8: {  	[smem:$0x3FAE] =	sst s0  }
0x9: {  	[smem:$0x3FAF] =	sst s1  }
0xa: {  	[smem:$0x3FB0] =	sst s2  }
0xb: {  	[smem:$0x3FB1] =	sst s3  }
0xc: {  	[smem:$0x3FB2] =	sst s4  }
0xd: {  	[smem:$0x3FB3] =	sst s5  }
0xe: {  	[smem:$0x3FB4] =	sst s6  }
0xf: {  	[smem:$0x3FB5] =	sst s7  }
0x10: {  	[smem:$0x3FB6] =	sst s8  }
0x11: {  	[smem:$0x3FB7] =	sst s9;
	s0 =	simm.s32 @!p0 $0x0  }
0x12: {  	s1 =	sld [smem:$0x3F9D];
	s0 =	simm.s32 @p0 $0x1  }
0x13: {  	[smem:$0x3FB8] =	sst s0;
	s0 =	simm.s32 @!p1 $0x0  }
0x14: {  	s2 =	sld [smem:$0x3F9C];
	s0 =	simm.s32 @p1 $0x1  }
0x15: {  	[smem:$0x3FB9] =	sst s0;
	s0 =	simm.s32 @!p2 $0x0  }
0x16: {  	s3 =	sld [smem:$0x3FDB];
	s0 =	simm.s32 @p2 $0x1  }
0x17: {  	s4 =	simm.s32 $0x1BF5;
	[smem:$0x3FBB] =	sst s0  }
0x18: {  	s0 =	sld [smem:$0x3F9E];
	_ =	swait.ge [sflag:s4], $0x0  }
0x19: {  	s7 =	sld [smem:$0x3F9F]  }
0x1a: {  	s8 =	sadd.s32 $0xFFFFE003, lr  }
0x1b: {  	s9 =	sadd.s32 $0xFFFFFEF7, lr;
	s5 =	simm.s32 $0xFFFFFFFF;
	p2 =	slt.u32 s8, $0xFFFFF086  }
0x1c: {  	p1 =	slt.u32 s9, $0xF7A;
	s5 =	simm.s32 @!p2 $0x0  }
0x1d: {  	s5 =	simm.s32 @p1 $0x1;
	p0 =	seq.s32 s7, s2  }
0x1e: {  	s7 =	smul.u32 @!p0 $0xF7A, s2;
	p2 =	seq.s32 @!p0 s5, $0x0  }
0x1f: {  	s9 =	smul.u32 $0xF7A, s1;
	s8 =	simm.s32 @!p0 $0x1BF5;
	p2 =	por !p2, p0  }
0x20: {  	[sflag:s8] =	ssyncset.s32 @!p0 $0xFFFFF086;
	s6 =	sadd.s32 @!p0 s3, s7;
	s7 =	simm.s32 @!p0 $0x108  }
0x21: {  	s3 =	sadd.s32 s3, s9;
	s6 =	sadd.s32 @!p0 $0x88, s6;
	s7 =	simm.s32 @p2 $0x1082  }
0x22: {  	[simem:s7], [sflag:s8] =	dma.local @!p0 [hbm:s6], $0xF7A  }
0x23: {  	s9 =	sor.u32 $0xD0000000, s2;
	s6 =	simm.s32 $0x108;
	_ =	swait.ge @!p0 [sflag:s8], $0x0  }
0x24: {  	s3 =	sadd.s32 $0x88, s3;
	s6 =	simm.s32 @!p1 $0x1082;
	[sflag:s4] =	ssyncset.s32 $0xFFFFF086  }
0x25: {  	[simem:s6], [sflag:s4] =	dma.local [hbm:s3], $0xF7A  }
0x26: {  	[smem:$0x3F9F] =	sst s1;
	(tag) =	ssettag s2;
	_ =	strace s9  }
0x27: {  	s1 =	sld [smem:$0x3FAF]  }
0x28: {  	s2 =	sld [smem:$0x3FB0]  }
0x29: {  	s4 =	sld [smem:$0x3FB2]  }
0x2a: {  	p0 =	seq.s32 s5, $0x0;
	s5 =	sld [smem:$0x3FB3]  }
0x2b: {  	s6 =	sld [smem:$0x3FB4]  }
0x2c: {  	s7 =	sld [smem:$0x3FB5]  }
0x2d: {  	s3 =	simm.s32 $0x108;
	s8 =	sld [smem:$0x3FB6]  }
0x2e: {  	s3 =	simm.s32 @!p0 $0x1082;
	s9 =	sld [smem:$0x3FB7]  }
0x2f: {  	lr =	sadd.s32 s0, s3;
	s0 =	sld [smem:$0x3FAE]  }
0x30: {  	s3 =	sld [smem:$0x3FB1]  }
0x31: {  	[smem:$0x3FBA] =	sst s10  }
0x32: {  	s10 =	sld [smem:$0x3FB8];
	_ =	sdelay $0x3  }
0x33: {  	p0 =	seq.s32 s10, $0x1;
	s10 =	sld [smem:$0x3FBA];
	_ =	sdelay $0x3  }
0x34: {  	[smem:$0x3FBA] =	sst s10  }
0x35: {  	s10 =	sld [smem:$0x3FB9];
	_ =	sdelay $0x3  }
0x36: {  	p1 =	seq.s32 s10, $0x1;
	s10 =	sld [smem:$0x3FBA];
	_ =	sdelay $0x3  }
0x37: {  	[smem:$0x3FBA] =	sst s10  }
0x38: {  	s10 =	sld [smem:$0x3FBB]  }
0x39: {  	_ = 	snop;
	(pc) =	sbr.ind lr, $3  }
0x3a: {  	_ = 	snop  }
0x3b: {  	_ = 	snop  }
0x3c: {  	p2 =	seq.s32 s10, $0x1;
	s10 =	sld [smem:$0x3FBA]  }
0x3d: {  	_ =	shalt  }
0x3e: {  	_ =	shalt  }
0x3f: {  	_ =	shalt  }
0x40: {  	_ =	shalt  }
0x41: {  	_ =	shalt  }
0x42: {  	_ =	shalt  }
0x43: {  	_ =	shalt  }
0x44: {  	_ =	shalt  }
0x45: {  	_ =	shalt  }
0x46: {  	_ =	shalt  }
0x47: {  	_ =	shalt  }
0x48: {  	_ =	shalt  }
0x49: {  	_ =	shalt  }
0x4a: {  	_ =	shalt  }
0x4b: {  	_ =	shalt  }
0x4c: {  	_ =	shalt  }
0x4d: {  	_ =	shalt  }
0x4e: {  	_ =	shalt  }
0x4f: {  	_ =	shalt  }
0x50: {  	_ =	shalt  }
0x51: {  	_ =	shalt  }
0x52: {  	_ =	shalt  }
0x53: {  	_ =	shalt  }
0x54: {  	_ =	shalt  }
0x55: {  	_ =	shalt  }
0x56: {  	_ =	shalt  }
0x57: {  	_ =	shalt  }
0x58: {  	_ =	shalt  }
0x59: {  	_ =	shalt  }
0x5a: {  	_ =	shalt  }
0x5b: {  	_ =	shalt  }
0x5c: {  	_ =	shalt  }
0x5d: {  	_ =	shalt  }
0x5e: {  	_ =	shalt  }
0x5f: {  	_ =	shalt  }
0x60: {  	_ =	shalt  }
0x61: {  	_ =	shalt  }
0x62: {  	_ =	shalt  }
0x63: {  	_ =	shalt  }
0x64: {  	_ =	shalt  }
0x65: {  	_ =	shalt  }
0x66: {  	_ =	shalt  }
0x67: {  	_ =	shalt  }
0x68: {  	_ =	shalt  }
0x69: {  	_ =	shalt  }
0x6a: {  	_ =	shalt  }
0x6b: {  	_ =	shalt  }
0x6c: {  	_ =	shalt  }
0x6d: {  	_ =	shalt  }
0x6e: {  	_ =	shalt  }
0x6f: {  	_ =	shalt  }
0x70: {  	_ =	shalt  }
0x71: {  	_ =	shalt  }
0x72: {  	_ =	shalt  }
0x73: {  	_ =	shalt  }
0x74: {  	_ =	shalt  }
0x75: {  	_ =	shalt  }
0x76: {  	_ =	shalt  }
0x77: {  	_ =	shalt  }
0x78: {  	_ =	shalt  }
0x79: {  	_ =	shalt  }
0x7a: {  	_ =	shalt  }
0x7b: {  	_ =	shalt  }
0x7c: {  	_ =	shalt  }
0x7d: {  	_ =	shalt  }
0x7e: {  	_ =	shalt  }
0x7f: {  	_ =	shalt  }
0x80: {  	_ =	shalt  }
0x81: {  	_ =	shalt  }
0x82: {  	_ =	shalt  }
0x83: {  	_ =	shalt  }
0x84: {  	_ =	shalt  }
0x85: {  	_ =	shalt  }
0x86: {  	_ =	shalt  }
0x87: {  	_ =	shalt  }
.Lfunc_end0:
.L_simem_size_0:
called_computation_lowered:
.L_overlay_start_0:
0x88: {  	s2 =	sld [smem:$0x3FD9]  }
0x89: {  	s3 =	sld [smem:$0x3FFE];
	_ =	sdelay $0x1  }
0x8a: {  	s1 =	srdreg.scid  }
0x8b: {  	s0 =	sand.u32 $0x1, s1  }
0x8c: {  	s17 =	sshll.u32 s0, $0xA;
	s2 =	sadd.s32 s3, s2  }
0x8d: {  	s2 =	sadd.s32 s2, s17  }
0x8e: {  	[smem:$0x3FC6] =	sst s2  }
0x8f: {  	_ = 	snop  }
0x90: {  	s2 =	sld [smem:$0x3FC8]  }
0x91: {  	s18 =	sld [smem:$0x3FD0];
	(tm) =	ssettm $0x1  }
0x92: {  	s4 =	sld [smem:$0x3FFB];
	_ =	sdelay $0x3  }
0x93: {  	_ =	strace s4  }
0x94: {  	s4 =	sld [smem:$0x3FFC];
	_ =	sdelay $0x3  }
0x95: {  	_ =	strace s4  }
0x96: {  	s4 =	sld [smem:$0x3FFD];
	_ =	sdelay $0x3  }
0x97: {  	_ =	strace s4  }
0x98: {  	_ =	strace $0x8FFFFFFF  }
0x99: {  	s19 =	sld [smem:$0x3FDB];
	_ =	sdelay $0x1  }
0x9a: {  	s5 =	simm.s32 $_scs_section_size  }
0x9b: {  	s6 =	simm.s32 $_size__tile_overlayer_lowered;
	s7 =	simm.s32 $_tile_overlayer_lowered  }
0x9c: {  	s22 =	simm.s32 $0x1BFF;
	s21 =	sshll.u32 s7, $0x1;
	s4 =	sadd.s32 s5, s19  }
0x9d: {  	s8 =	simm.s32 $0x0;
	s20 =	sshll.u32 s6, $0x1;
	s6 =	sadd.s32 s21, s4  }
0x9e: {  	[timem:s8], [sflag:s22] =	dma.local [hbm:s6], s20  }
0x9f: {  	_ =	swait.ge [sflag:s22], s20  }
0xa0: {  	s5 =	ssub.s32 $0x0, s20;
	[sflag:s22] =	ssyncset.done $0x0  }
0xa1: {  	[sflag:s22] =	ssyncadd.s32 s5;
	_ =	sdelay $0x1  }
0xa2: {  	s23 =	simm.s32 $0x1B8B  }
0xa3: {  	_ =	swait.ge [sflag:s23], $0x1  }
0xa4: {  	[sflag:s23] =	ssyncset.done $0x0  }
0xa5: {  	s25 =	simm.s32 $0x1B8E;
	s24 =	sld [smem:$0x3FFE];
	[sflag:s23] =	ssyncadd.s32 $0xFFFFFFFF  }
0xa6: {  	s26 =	simm.s32 $execute0_lowered;
	[smem:$0x3FD2] =	sst s25  }
0xa7: {  	s6 =	sshll.u32 s26, $0x1;
	_ =	strace $0x80000046;
	[dreg:$0x1] =	wrdreg $0xFFFFFFFF  }
0xa8: {  	s28 =	simm.s32 $_size_execute0_lowered;
	s4 =	sadd.s32 s4, s6;
	[dreg:$0x0] =	wrdreg $0x0  }
0xa9: {  	s6 =	sshll.u32 s28, $0x1;
	[dreg:$0x2] =	wrdreg s4  }
0xaa: {  	[dreg:$0x3] =	wrdreg s6  }
0xab: {  	[dreg:$0x4] =	wrdreg $0xC0  }
0xac: {  	_ =	task [dreg:s8], $0x5FFFF  }
0xad: {  	[dreg:$0x1] =	wrdreg $0xFFFFFFFF  }
0xae: {  	[dreg:$0x0] =	wrdreg $0x60  }
0xaf: {  	[dreg:$0x2] =	wrdreg s24  }
0xb0: {  	[dreg:$0x3] =	wrdreg s2  }
0xb1: {  	[dreg:$0x4] =	wrdreg s18  }
0xb2: {  	[dreg:$0x5] =	wrdreg $0x164000  }
0xb3: {  	[dreg:$0x6] =	wrdreg $0x9  }
0xb4: {  	_ =	task.clear_ibuf [dreg:s8], $0x7FFFF;
	_ =	strace $0x90000046  }
0xb5: {  	s29 =	simm.s32 $0x9;
	_ =	strace $0x80000048  }
0xb6: {  	_ =	swait.ge [sflag:s29], $0x1  }
0xb7: {  	[sflag:s29] =	ssyncadd.s32 $0xFFFFFFFF  }
0xb8: {  	_ =	strace $0x90000048  }
0xb9: {  	_ =	sfence  }
0xba: {  	s30 =	sld [smem:$0x0];
	_ =	sdelay $0x2  }
0xbb: {  	s31 =	sshll.u32 s1, $0xD;
	s1 =	sshrl.u32 s1, $0x2  }
0xbc: {  	s3 =	sand.u32 $0x4000, s31;
	s1 =	sadd.s32 s1, s30  }
0xbd: {  	s0 =	sor.u32 s3, s0;
	s1 =	sshll.u32 s1, $0x11  }
0xbe: {  	s0 =	sor.u32 s1, s0  }
0xbf: {  	s0 =	sadd.s32 $0x8F2B, s0  }
0xc0: {  	[sflag:s0] =	ssyncadd.remote.s32 $0x1  }
0xc1: {  	_ =	sfence.sel $0xFFFF  }
0xc2: {  	[dreg:$0x0] =	wrdreg $0xFFFFFFFF;
	(pc) =	sbr.abs _section_cstart, $3  }
0xc3: {  	[dreg:$0x1] =	wrdreg $0xFFFFFFFF  }
0xc4: {  	_ =	task.clear_ibuf [dreg:s8], $0x2FFFF;
	_ =	strace $0x9FFFFFFF  }
0xc5: {  	(tm) =	ssettm $0x7FFFFFFF  }
tec
execute0_lowered:
.L_overlay_start_1:
0x0: {  	(tag) =	ssettag $0x1  }
0x1: {  	s0 =	rddreg [dreg:$0x0]  }
0x2: {  	s10 =	rddreg [dreg:$0x2];
	s1 =	srdreg.scid  }
0x3: {  	s11 =	stileid.u32;
	s2 =	rddreg [dreg:$0x3]  }
0x4: {  	s3 =	simm.s32 $0x0;
	s15 =	simm.s32 $0x3;
	s16 =	simm.s32 $0x80  }
0x5: {  	s17 =	simm.s32 $0x6400;
	s18 =	simm.s32 $0xA400;
	s29 =	simm.s32 $0x0  }
0x6: {  	s1 =	sand.u32 $0x1, s1;
	s4 =	sshll.u32 s11, $0x1;
	s8 =	smul.u32 $0x640000, s11  }
0x7: {  	[smem:$0x7FF] =	sst s3;
	s4 =	sor.u32 s1, s4;
	s22 =	smul.u32 $0x320000, s1  }
0x8: {  	p0 =	sne.s32 s11, $0x0;
	s6 =	ssub.s32 $0x2, s1;
	s5 =	smul.u32 $0xC80, s4  }
0x9: {  	_ =	strace $0x80000047;
	s7 =	smul.u32 $0x320000, s4;
	s20 =	sshrl.u32 s6, $0x1  }
0xa: {  	s21 =	ssub.s32 s6, s20;
	s12 =	sadd.s32 s22, s8;
	s20 =	simm.s32 $0xE400  }
0xb: {  	s0 =	sadd.s32 s5, s0;
	s23 =	sor.u32 $0x4000, s7;
	s9 =	sor.u32 $0x8000, s7  }
0xc: {  	s24 =	sshrl.u32 s7, $0x3;
	s5 =	smax.u32 s21, $0x1;
	s28 =	sor.u32 $0x18000, s12  }
0xd: {  	s31 =	sor.u32 $0x14000, s12;
	s13 =	sor.u32 $0x10000, s12;
	s12 =	sor.u32 $0x1C000, s12  }
0xe: {  	s21 =	simm.s32 $0x1;
	s0 =	sadd.s32 $0x400, s0;
	s6 =	sadd.s32 s10, s24  }
0xf: {  	s25 =	sshrl.u32 s23, $0x3;
	s26 =	sshrl.u32 s9, $0x3;
	s30 =	sshrl.u32 s28, $0x3  }
.Ltmp0:
0x10: {  	s1 =	sshrl.u32 s31, $0x3;
	s13 =	sshrl.u32 s13, $0x3;
	(pc) =	sbr.rel .LBB2_1-.Ltmp0, $4  }
0x11: {  	s14 =	sshrl.u32 s12, $0x3;
	s23 =	simm.s32 $0x12400;
	s24 =	simm.s32 $0x2  }
0x12: {  	[dreg:$0x5] =	wrdreg s0;
	s7 =	sadd.s32 s10, s25;
	s8 =	sadd.s32 s10, s26  }
0x13: {  	s9 =	sadd.s32 $0x1800, s6;
	s0 =	sadd.s32 s30, s10;
	s1 =	sadd.s32 s1, s10  }
0x14: {  	s12 =	sadd.s32 s13, s10;
	s13 =	sadd.s32 s14, s10;
	s14 =	sshrl.u32 @!p0 s2, $0x3  }
.LBB2_4:
0x15: {  	s29 =	sadd.s32 $0x1, s29  }
0x16: {  	p1 =	sne.s32 s29, s5  }
.Ltmp1:
0x17: {  	_ = 	snop;
	(pc) =	sbr.rel @!p1 .LBB2_5-.Ltmp1, $4  }
0x18: {  	_ = 	snop  }
0x19: {  	_ =	swait.ge [sflag:s24], $0x4000  }
0x1a: {  	[sflag:s24] =	ssyncset.done $0x0  }
0x1b: {  	[sflag:s24] =	ssyncadd.s32 $0xFFFFC000  }
.LBB2_1:
0x1c: {  	s10 =	simm.s32 @!p0 $0x1C03;
	s4 =	rddreg [dreg:$0x1]  }
0x1d: {  	[spmem:s14], [sflag:s10] =	dma.local @!p0 [hbm:s4], $0x3E80  }
0x1e: {  	s10 =	simm.s32 @!p0 $0x3  }
0x1f: {  	_ =	swait.ge @!p0 [sflag:s10], $0x3E80  }
0x20: {  	[sflag:s10] =	ssyncset.done @!p0 $0x0  }
0x21: {  	s11 =	rddreg [dreg:$0x5];
	[sflag:s10] =	ssyncadd.s32 @!p0 $0xFFFFC180  }
0x22: {  	[tilespmem:s3], [sflag:$0x3] =	stream.linear.gather [hbm4b:s11+s3], $0x6400, $0x38;
	[tilespmem:$0x18340] =	vst v63  }
0x23: {  	_ =	swait.ge [sflag:s15], $0x6400  }
0x24: {  	[sflag:s15] =	ssyncset.done $0x0  }
0x25: {  	[sflag:s15] =	ssyncadd.s32 $0xFFFF9C00  }
0x26: {  	[bflag:$0x0] =	sbarrier.arrive $0xFFFF  }
0x27: {  	[tilespmem:s17], [sflag:$0x1] =	stream.indirect.gather [spmem:s2], $0x80, s3, s16, $0xb8;
	[tilespmem:$0x18340] =	vst v63  }
0x28: {  	_ = 	snop  }
0x29: {  	[tilespmem:s18], [sflag:$0x1] =	stream.indirect.gather [spmem:s2], $0x80, s16, s16, $0xb8;
	[tilespmem:$0x18340] =	vst v63  }
0x2a: {  	s19 =	simm.s32 $0x100  }
0x2b: {  	[tilespmem:s20], [sflag:$0x1] =	stream.indirect.gather [spmem:s2], $0x80, s19, s16, $0xb8;
	[tilespmem:$0x18340] =	vst v63  }
0x2c: {  	_ =	swait.ge [sflag:s21], $0x4000  }
0x2d: {  	[sflag:s21] =	ssyncset.done $0x0  }
0x2e: {  	[sflag:s21] =	ssyncadd.s32 $0xFFFFC000  }
0x2f: {  	[hbm4b:s6+s3] =	stream.linear.scatter [tilespmem:s17], [sflag:$0x2], $0x4000, $0x38;
	[tilespmem:$0x18340] =	vst v63  }
0x30: {  	s22 =	simm.s32 $0x180  }
0x31: {  	[tilespmem:s23], [sflag:$0x1] =	stream.indirect.gather [spmem:s2], $0x80, s22, s16, $0xb8;
	[tilespmem:$0x18340] =	vst v63  }
0x32: {  	_ =	swait.ge [sflag:s21], $0x4000  }
0x33: {  	[sflag:s21] =	ssyncset.done $0x0  }
0x34: {  	[sflag:s21] =	ssyncadd.s32 $0xFFFFC000  }
0x35: {  	[hbm4b:s7+s3] =	stream.linear.scatter [tilespmem:s18], [sflag:$0x2], $0x4000, $0x38;
	[tilespmem:$0x18340] =	vst v63  }
0x36: {  	_ =	swait.ge [sflag:s24], $0x4000  }
0x37: {  	[sflag:s24] =	ssyncset.done $0x0  }
0x38: {  	s25 =	simm.s32 $0x200;
	[sflag:s24] =	ssyncadd.s32 $0xFFFFC000  }
0x39: {  	[tilespmem:s17], [sflag:$0x1] =	stream.indirect.gather [spmem:s2], $0x80, s25, s16, $0xb8;
	[tilespmem:$0x18340] =	vst v63  }
0x3a: {  	_ =	swait.ge [sflag:s21], $0x4000  }
0x3b: {  	[sflag:s21] =	ssyncset.done $0x0  }
0x3c: {  	[sflag:s21] =	ssyncadd.s32 $0xFFFFC000  }
0x3d: {  	[hbm4b:s8+s3] =	stream.linear.scatter [tilespmem:s20], [sflag:$0x2], $0x4000, $0x38;
	[tilespmem:$0x18340] =	vst v63  }
0x3e: {  	_ =	swait.ge [sflag:s24], $0x4000  }
0x3f: {  	[sflag:s24] =	ssyncset.done $0x0  }
0x40: {  	s26 =	simm.s32 $0x280;
	[sflag:s24] =	ssyncadd.s32 $0xFFFFC000  }
0x41: {  	[tilespmem:s18], [sflag:$0x1] =	stream.indirect.gather [spmem:s2], $0x80, s26, s16, $0xb8;
	[tilespmem:$0x18340] =	vst v63  }
0x42: {  	_ =	swait.ge [sflag:s21], $0x4000  }
0x43: {  	[sflag:s21] =	ssyncset.done $0x0  }
0x44: {  	[sflag:s21] =	ssyncadd.s32 $0xFFFFC000  }
0x45: {  	[hbm4b:s9+s3] =	stream.linear.scatter [tilespmem:s23], [sflag:$0x2], $0x4000, $0x38;
	[tilespmem:$0x18340] =	vst v63  }
0x46: {  	s28 =	simm.s32 $0x300;
	s30 =	smov.u32 s13;
	_ =	swait.ge [sflag:s24], $0x4000  }
0x47: {  	s31 =	smov.u32 s12;
	s10 =	smov.u32 s0;
	[sflag:s24] =	ssyncset.done $0x0  }
0x48: {  	s11 =	smov.u32 s1;
	s19 =	simm.s32 $0x0;
	[sflag:s24] =	ssyncadd.s32 $0xFFFFC000  }
0x49: {  	[tilespmem:s20], [sflag:$0x1] =	stream.indirect.gather [spmem:s2], $0x80, s28, s16, $0xb8;
	[tilespmem:$0x18340] =	vst v63  }
.LBB2_2:
0x4a: {  	_ =	swait.ge [sflag:s21], $0x4000  }
0x4b: {  	[sflag:s21] =	ssyncset.done $0x0  }
0x4c: {  	[sflag:s21] =	ssyncadd.s32 $0xFFFFC000  }
0x4d: {  	[hbm4b:s31+s3] =	stream.linear.scatter [tilespmem:s17], [sflag:$0x2], $0x4000, $0x38;
	[tilespmem:$0x18340] =	vst v63  }
0x4e: {  	_ =	swait.ge [sflag:s24], $0x4000  }
0x4f: {  	s22 =	sshra.s32 s19, $0x2;
	[sflag:s24] =	ssyncset.done $0x0  }
0x50: {  	s25 =	sadd.s32 $0x380, s22;
	[sflag:s24] =	ssyncadd.s32 $0xFFFFC000  }
0x51: {  	[tilespmem:s23], [sflag:$0x1] =	stream.indirect.gather [spmem:s2], $0x80, s25, s16, $0xb8;
	[tilespmem:$0x18340] =	vst v63  }
0x52: {  	_ =	swait.ge [sflag:s21], $0x4000  }
0x53: {  	[sflag:s21] =	ssyncset.done $0x0  }
0x54: {  	[sflag:s21] =	ssyncadd.s32 $0xFFFFC000  }
0x55: {  	[hbm4b:s11+s3] =	stream.linear.scatter [tilespmem:s18], [sflag:$0x2], $0x4000, $0x38;
	[tilespmem:$0x18340] =	vst v63  }
0x56: {  	p1 =	seq.s32 s19, $0x18000;
	_ =	swait.ge [sflag:s24], $0x4000  }
0x57: {  	s28 =	simm.s32 @!p1 $0x80;
	s25 =	sshra.s32 @!p1 s19, $0x2;
	[sflag:s24] =	ssyncset.done $0x0  }
0x58: {  	s4 =	simm.s32 @!p1 $0x6400;
	s26 =	sadd.s32 @!p1 $0x400, s25;
	[sflag:s24] =	ssyncadd.s32 $0xFFFFC000  }
0x59: {  	[tilespmem:s4], [sflag:$0x1] =	stream.indirect.gather @!p1 [spmem:s2], $0x80, s26, s28, $0xb8;
	[tilespmem:$0x18340] =	vst v63  }
0x5a: {  	_ =	swait.ge [sflag:s21], $0x4000  }
0x5b: {  	[sflag:s21] =	ssyncset.done $0x0  }
0x5c: {  	[sflag:s21] =	ssyncadd.s32 $0xFFFFC000  }
0x5d: {  	[hbm4b:s10+s3] =	stream.linear.scatter [tilespmem:s20], [sflag:$0x2], $0x4000, $0x38;
	[tilespmem:$0x18340] =	vst v63  }
0x5e: {  	_ =	swait.ge [sflag:s24], $0x4000  }
0x5f: {  	[sflag:s24] =	ssyncset.done $0x0  }
0x60: {  	s4 =	sadd.s32 @!p1 $0x480, s25;
	s25 =	simm.s32 @!p1 $0xA400;
	[sflag:s24] =	ssyncadd.s32 $0xFFFFC000  }
0x61: {  	[tilespmem:s25], [sflag:$0x1] =	stream.indirect.gather @!p1 [spmem:s2], $0x80, s4, s28, $0xb8;
	[tilespmem:$0x18340] =	vst v63  }
0x62: {  	_ =	swait.ge [sflag:s21], $0x4000  }
0x63: {  	[sflag:s21] =	ssyncset.done $0x0  }
.Ltmp2:
0x64: {  	[sflag:s21] =	ssyncadd.s32 $0xFFFFC000;
	(pc) =	sbr.rel @p1 .LBB2_4-.Ltmp2, $4  }
0x65: {  	[hbm4b:s30+s3] =	stream.linear.scatter [tilespmem:s23], [sflag:$0x2], $0x4000, $0x38;
	[tilespmem:$0x18340] =	vst v63  }
0x66: {  	_ =	swait.ge [sflag:s24], $0x4000  }
0x67: {  	[sflag:s24] =	ssyncset.done $0x0  }
0x68: {  	[sflag:s24] =	ssyncadd.s32 $0xFFFFC000  }
.Ltmp3:
0x69: {  	(pc) =	sbr.rel .LBB2_2-.Ltmp3, $4  }
0x6a: {  	_ = 	snop  }
0x6b: {  	s4 =	sadd.s32 $0x500, s22;
	s19 =	sadd.s32 $0x800, s19;
	s10 =	sadd.s32 $0x2000, s10  }
0x6c: {  	s11 =	sadd.s32 $0x2000, s11;
	s31 =	sadd.s32 $0x2000, s31;
	s30 =	sadd.s32 $0x2000, s30  }
0x6d: {  	[tilespmem:s20], [sflag:$0x1] =	stream.indirect.gather [spmem:s2], $0x80, s4, s16, $0xb8;
	[tilespmem:$0x18340] =	vst v63  }
.LBB2_5:
0x6e: {  	_ =	sfence.sel $0x180000  }
0x6f: {  	[bflag:$0x0] =	sbarrier.arrive $0xFFFF  }
0x70: {  	_ =	strace $0x90000047  }
0x71: {  	[bflag:$0x2] =	sbarrier.arrive $0xFFFF  }
0x72: {  	s0 =	rddreg [dreg:$0x4]  }
0x73: {  	s0 =	sadd.s32 @!p0 $0x100000, s0  }
0x74: {  	[sflag:s0] =	ssyncadd.tile.s32 @!p0 $0x1;
	_ =	shalt  }
.Lfunc_end2:
_tile_overlayer_lowered:
.L_overlay_start_2:
0x75: {  	(tag) =	ssettag $0x2  }
0x76: {  	s0 =	rddreg [dreg:$0x0];
	s2 =	stileid.u32  }
0x77: {  	s1 =	rddreg [dreg:$0x1];
	p0 =	sne.s32 s2, $0x0  }
0x78: {  	s3 =	rddreg [dreg:$0x2];
	[bflag:$0x3] =	sbarrier.arrive $0xFFFF;
	s2 =	simm.s32 @!p0 $0x1C03  }
0x79: {  	[timem:s3], [sflag:s2] =	dma.local @!p0 [hbm:s0], s1  }
0x7a: {  	s0 =	simm.s32 @!p0 $0x3  }
0x7b: {  	_ =	swait.ge @!p0 [sflag:s0], s1  }
0x7c: {  	s1 =	ssub.s32 @!p0 $0x0, s1;
	[sflag:s0] =	ssyncset.done @!p0 $0x0  }
0x7d: {  	[sflag:s0] =	ssyncadd.s32 @!p0 s1  }
0x7e: {  	[bflag:$0x3] =	sbarrier.arrive $0xFFFF  }
0x7f: {  	_ =	shalt  }

</sc_bundles>
